<compile_context>
chip_gen: v7x
topology: tpu7x:2x2x1
jax: 0.10.2.dev20260603
libtpu: 0.0.44.dev20260713+nightly
codegen_flags: <defaults>
</compile_context>

<pallas_src>
import jax
import jax.numpy as jnp
from jax import lax
from jax.experimental import pallas as pl
from jax.experimental.pallas import tpu as pltpu
from jax.experimental.pallas import tpu_sc as plsc

_N_TOKENS = 32768
_EMBED_DIM = 768
_NUM_EXPERTS = 8
_TOP_K = 2
_BLOCK = 4096
_NW = 32
_CHUNK = _N_TOKENS // _NW
_LANES = 16
_WPB = _BLOCK // _CHUNK


def _logits_body(xa_ref, xb_ref, wa_ref, wb_ref, b_ref, epsT_ref,
                 gate_ref, noisy_ref, noisy3_ref):
    e = _NUM_EXPERTS
    logits = (jnp.dot(xa_ref[...], wa_ref[...], preferred_element_type=jnp.float32)
              + jnp.dot(xb_ref[...], wb_ref[...], preferred_element_type=jnp.float32)
              + b_ref[...])
    gate_ref[...] = logits[:, :e]

    lt = logits.T
    n_t = lt[e:, :]
    sp = jnp.maximum(n_t, 0.0) + jnp.log1p(jnp.exp(-jnp.abs(n_t)))
    noisy_t = lt[:e, :] + epsT_ref[...] * sp
    noisy_ref[...] = noisy_t.T
    for k in range(_WPB):
        noisy3_ref[k] = noisy_t[:, k * _CHUNK:(k + 1) * _CHUNK]


def _route_body(noisy3_hbm, w1_hbm, w2_hbm, i1_hbm, i2_hbm,
                nv_ref, w1_ref, w2_ref, i1_ref, i2_ref):
    wid = lax.axis_index("s") * 2 + lax.axis_index("c")
    base = wid * _CHUNK
    pltpu.sync_copy(noisy3_hbm.at[wid], nv_ref)

    def step(t, carry):
        off = t * _LANES
        best1 = nv_ref[pl.ds(off, _LANES)]
        idx1 = jnp.zeros((_LANES,), jnp.int32)
        best2 = jnp.full((_LANES,), -jnp.inf, jnp.float32)
        idx2 = jnp.zeros((_LANES,), jnp.int32)
        for ex in range(1, _NUM_EXPERTS):
            v = nv_ref[pl.ds(ex * _CHUNK + off, _LANES)]
            new1 = v > best1
            new2 = jnp.logical_and(v <= best1, v > best2)
            idx2 = jnp.where(new1, idx1, jnp.where(new2, ex, idx2))
            best2 = jnp.where(new1, best1, jnp.where(new2, v, best2))
            idx1 = jnp.where(new1, ex, idx1)
            best1 = jnp.where(new1, v, best1)
        e2 = jnp.exp(best2 - best1)
        w1 = 1.0 / (1.0 + e2)
        w1_ref[pl.ds(off, _LANES)] = w1
        w2_ref[pl.ds(off, _LANES)] = e2 * w1
        i1_ref[pl.ds(off, _LANES)] = idx1
        i2_ref[pl.ds(off, _LANES)] = idx2
        return carry

    lax.fori_loop(0, _CHUNK // _LANES, step, 0)
    pltpu.sync_copy(w1_ref, w1_hbm.at[pl.ds(base, _CHUNK)])
    pltpu.sync_copy(w2_ref, w2_hbm.at[pl.ds(base, _CHUNK)])
    pltpu.sync_copy(i1_ref, i1_hbm.at[pl.ds(base, _CHUNK)])
    pltpu.sync_copy(i2_ref, i2_hbm.at[pl.ds(base, _CHUNK)])


def kernel(hidden_states, Wg, bg, Wn, bn):
    n, d = hidden_states.shape
    e = Wg.shape[1]
    eps = jax.random.normal(jax.random.key(42), (n, e), dtype=jnp.float32)
    epsT = eps.T
    w16 = jnp.concatenate([Wg, Wn], axis=1)
    b16 = jnp.concatenate([bg, bn]).reshape(1, 2 * e)
    grid = (n // _BLOCK,)
    gate_logits, noisy_logits, noisy3 = pl.pallas_call(
        _logits_body,
        grid=grid,
        in_specs=[
            pl.BlockSpec((_BLOCK, d // 2), lambda i: (i, 0)),
            pl.BlockSpec((_BLOCK, d // 2), lambda i: (i, 1)),
            pl.BlockSpec((d // 2, 2 * e), lambda i: (0, 0)),
            pl.BlockSpec((d // 2, 2 * e), lambda i: (1, 0)),
            pl.BlockSpec((1, 2 * e), lambda i: (0, 0)),
            pl.BlockSpec((e, _BLOCK), lambda i: (0, i)),
        ],
        out_specs=[
            pl.BlockSpec((_BLOCK, e), lambda i: (i, 0)),
            pl.BlockSpec((_BLOCK, e), lambda i: (i, 0)),
            pl.BlockSpec((_WPB, e, _CHUNK), lambda i: (i, 0, 0)),
        ],
        out_shape=[
            jax.ShapeDtypeStruct((n, e), jnp.float32),
            jax.ShapeDtypeStruct((n, e), jnp.float32),
            jax.ShapeDtypeStruct((_NW, e, _CHUNK), jnp.float32),
        ],
    )(hidden_states, hidden_states, w16, w16, b16, epsT)

    route = pl.kernel(
        _route_body,
        out_type=(
            jax.ShapeDtypeStruct((n,), jnp.float32),
            jax.ShapeDtypeStruct((n,), jnp.float32),
            jax.ShapeDtypeStruct((n,), jnp.int32),
            jax.ShapeDtypeStruct((n,), jnp.int32),
        ),
        mesh=plsc.VectorSubcoreMesh(core_axis_name="c", subcore_axis_name="s"),
        scratch_types=[
            pltpu.VMEM((e * _CHUNK,), jnp.float32),
            pltpu.VMEM((_CHUNK,), jnp.float32),
            pltpu.VMEM((_CHUNK,), jnp.float32),
            pltpu.VMEM((_CHUNK,), jnp.int32),
            pltpu.VMEM((_CHUNK,), jnp.int32),
        ],
    )
    w1, w2, i1, i2 = route(noisy3.reshape(_NW, e * _CHUNK))
    routing_weights = jnp.stack([w1, w2], axis=1)
    selected_experts = jnp.stack([i1, i2], axis=1)
    return (routing_weights, selected_experts, noisy_logits, gate_logits)

# --- scband reference (transcript-rebuilt; emitter-appended) ---
"""Pipeline reference for scband-noisy-topk-router-22814866276627 (READ-ONLY COPY).

The authoritative reference and input builder live on the scoring server;
editing this copy changes nothing except your own understanding.
"""

import jax, jax.numpy as jnp
import numpy as np

N_TOKENS = 32768
EMBED_DIM = 768
NUM_EXPERTS = 8
TOP_K = 2


def setup_inputs(seed: int = 0) -> dict:
    key = jax.random.key(seed)
    k1, k2, k3 = jax.random.split(key, 3)
    hidden_states = jax.random.normal(k1, (N_TOKENS, EMBED_DIM), dtype=jnp.float32)
    # nn.Linear(embed_dim, num_experts): weight [E, D], bias [E]. Store transposed [D, E] for x @ W.
    Wg = jax.random.normal(k2, (EMBED_DIM, NUM_EXPERTS), dtype=jnp.float32) / np.sqrt(EMBED_DIM)
    bg = jnp.zeros((NUM_EXPERTS,), dtype=jnp.float32)
    Wn = jax.random.normal(k3, (EMBED_DIM, NUM_EXPERTS), dtype=jnp.float32) / np.sqrt(EMBED_DIM)
    bn = jnp.zeros((NUM_EXPERTS,), dtype=jnp.float32)
    return {"hidden_states": hidden_states, "Wg": Wg, "bg": bg, "Wn": Wn, "bn": bn}


def reference(hidden_states, Wg, bg, Wn, bn):
    gate_logits = hidden_states @ Wg + bg
    noise_logits = hidden_states @ Wn + bn
    # torch.randn_like -> fixed-key standard normal (constant noise sample)
    eps = jax.random.normal(jax.random.key(42), gate_logits.shape, dtype=gate_logits.dtype)
    noise = eps * jax.nn.softplus(noise_logits)
    noisy_logits = gate_logits + noise
    routing_weights = jax.nn.softmax(noisy_logits.astype(jnp.float32), axis=1)
    routing_weights, selected_experts = jax.lax.top_k(routing_weights, TOP_K)
    routing_weights = routing_weights / jnp.sum(routing_weights, axis=-1, keepdims=True)
    routing_weights = routing_weights.astype(hidden_states.dtype)
    return (routing_weights, selected_experts, noisy_logits, gate_logits)

if __name__ == "__main__":
    import jax
    _d = setup_inputs()
    print(jax.jit(kernel)(*tuple(_d.values())))

</pallas_src>

<mosaic_0001>
#map = affine_map<(d0, d1) -> (0, 0)>
#map1 = affine_map<(d0, d1) -> (0)>
module attributes {stable_mosaic.version = 14 : i64} {
  func.func @_route_body(%arg0: i32, %arg1: i32, %arg2: memref<32x8192xf32, #tpu.memory_space<hbm>>, %arg3: memref<32768xf32, #tpu.memory_space<hbm>>, %arg4: memref<32768xf32, #tpu.memory_space<hbm>>, %arg5: memref<32768xi32, #tpu.memory_space<hbm>>, %arg6: memref<32768xi32, #tpu.memory_space<hbm>>, %arg7: memref<8192xf32, #tpu.memory_space<vmem>>, %arg8: memref<1024xf32, #tpu.memory_space<vmem>>, %arg9: memref<1024xf32, #tpu.memory_space<vmem>>, %arg10: memref<1024xi32, #tpu.memory_space<vmem>>, %arg11: memref<1024xi32, #tpu.memory_space<vmem>>) attributes {dimension_semantics = [#tpu.dimension_semantics<core_parallel>, #tpu.dimension_semantics<subcore_parallel>], iteration_bounds = array<i64: 2, 16>, scalar_prefetch = 0 : i64, scratch_operands = 5 : i64, tpu.core_type = #tpu.core_type<sc_vector_subcore>, window_params = [{transform_indices = #map}, {transform_indices = #map1}, {transform_indices = #map1}, {transform_indices = #map1}, {transform_indices = #map1}]} {
    %mul3A = arith.constant 2 : i32
    %mul3A_0 = arith.muli %arg1, %mul3A : i32
    %add3A = arith.addi %mul3A_0, %arg0 : i32
    %mul3A_1 = arith.constant 1024 : i32
    %mul3A_2 = arith.muli %add3A, %mul3A_1 : i32
    "tpu.region"() ({
      %run_scoped3A = tpu.sem_alloc : memref<!tpu.dma_semaphore, #tpu.memory_space<semaphore_mem>>
      %dma_start3A = arith.constant 0 : i32
      %dma_start3A_8 = tpu.memref_slice %arg2[%add3A, %dma_start3A] : memref<32x8192xf32, #tpu.memory_space<hbm>> -> memref<1x8192xf32, #tpu.memory_space<hbm>>
      %dma_start3A_9 = tpu.memref_squeeze %dma_start3A_8 : memref<1x8192xf32, #tpu.memory_space<hbm>> -> memref<8192xf32, #tpu.memory_space<hbm>>
      %dma_start3A_10 = arith.constant 0 : i32
      %dma_start3A_11 = tpu.memref_slice %arg2[%add3A, %dma_start3A_10] : memref<32x8192xf32, #tpu.memory_space<hbm>> -> memref<1x8192xf32, #tpu.memory_space<hbm>>
      %dma_start3A_12 = tpu.memref_squeeze %dma_start3A_11 : memref<1x8192xf32, #tpu.memory_space<hbm>> -> memref<8192xf32, #tpu.memory_space<hbm>>
      tpu.enqueue_dma source(%dma_start3A_12 : memref<8192xf32, #tpu.memory_space<hbm>>) target(%arg7 : memref<8192xf32, #tpu.memory_space<vmem>>) target_semaphore(%run_scoped3A : memref<!tpu.dma_semaphore, #tpu.memory_space<semaphore_mem>>)
      %dma_wait3A = arith.constant 0 : i32
      %dma_wait3A_13 = tpu.memref_slice %arg2[%add3A, %dma_wait3A] : memref<32x8192xf32, #tpu.memory_space<hbm>> -> memref<1x8192xf32, #tpu.memory_space<hbm>>
      %dma_wait3A_14 = tpu.memref_squeeze %dma_wait3A_13 : memref<1x8192xf32, #tpu.memory_space<hbm>> -> memref<8192xf32, #tpu.memory_space<hbm>>
      %dma_wait3A_15 = arith.constant 0 : i32
      %dma_wait3A_16 = tpu.memref_slice %arg2[%add3A, %dma_wait3A_15] : memref<32x8192xf32, #tpu.memory_space<hbm>> -> memref<1x8192xf32, #tpu.memory_space<hbm>>
      %dma_wait3A_17 = tpu.memref_squeeze %dma_wait3A_16 : memref<1x8192xf32, #tpu.memory_space<hbm>> -> memref<8192xf32, #tpu.memory_space<hbm>>
      tpu.wait_dma2 semaphore(%run_scoped3A : memref<!tpu.dma_semaphore, #tpu.memory_space<semaphore_mem>>) src(%dma_wait3A_17 : memref<8192xf32, #tpu.memory_space<hbm>>) dst(%arg7 : memref<8192xf32, #tpu.memory_space<vmem>>)
      tpu.yield
    }) : () -> ()
    %scan3A = arith.constant 0 : i32
    %scan3A_3 = arith.constant 0 : i32
    %scan3A_4 = arith.constant 64 : i32
    %scan3A_5 = arith.addi %scan3A_3, %scan3A_4 : i32
    %scan3A_6 = arith.constant 1 : i32
    scf.for %scan3A_8 = %scan3A_3 to %scan3A_5 step %scan3A_6  : i32 {
      %mul3A_9 = arith.constant 16 : i32
      %mul3A_10 = arith.muli %scan3A_8, %mul3A_9 : i32
      %get3A = arith.index_cast %mul3A_10 : i32 to index
      %get3A_11 = tpu.vector_load %arg7[%get3A] {strides = array<i32>} : memref<8192xf32, #tpu.memory_space<vmem>>, vector<16xf32>,
      %get3A_12 = vector.shape_cast %get3A_11 : vector<16xf32> to vector<16xf32>
      %broadcast_in_dim3A = arith.constant 0 : i32
      %broadcast_in_dim3A_13 = vector.broadcast %broadcast_in_dim3A : i32 to vector<16xi32>
      %broadcast_in_dim3A_14 = arith.constant 0xFF800000 : f32
      %broadcast_in_dim3A_15 = vector.broadcast %broadcast_in_dim3A_14 : f32 to vector<16xf32>
      %broadcast_in_dim3A_16 = arith.constant 0 : i32
      %broadcast_in_dim3A_17 = vector.broadcast %broadcast_in_dim3A_16 : i32 to vector<16xi32>
      %add3A_18 = arith.constant 1024 : i32
      %add3A_19 = arith.addi %add3A_18, %mul3A_10 : i32
      %get3A_20 = arith.index_cast %add3A_19 : i32 to index
      %get3A_21 = tpu.vector_load %arg7[%get3A_20] {strides = array<i32>} : memref<8192xf32, #tpu.memory_space<vmem>>, vector<16xf32>,
      %get3A_22 = vector.shape_cast %get3A_21 : vector<16xf32> to vector<16xf32>
      %gt3A = arith.cmpf ogt, %get3A_22, %get3A_12 : vector<16xf32>
      %le3A = arith.cmpf ole, %get3A_22, %get3A_12 : vector<16xf32>
      %gt3A_23 = arith.cmpf ogt, %get3A_22, %broadcast_in_dim3A_15 : vector<16xf32>
      %and3A = arith.andi %le3A, %gt3A_23 : vector<16xi1>
      %jit3A = arith.constant 1 : i32
      %broadcast_in_dim3A_24 = vector.broadcast %jit3A : i32 to vector<16xi32>
      %select_n3A = arith.select %and3A, %broadcast_in_dim3A_24, %broadcast_in_dim3A_17 : vector<16xi1>, vector<16xi32>
      %select_n3A_25 = arith.select %gt3A, %broadcast_in_dim3A_13, %select_n3A : vector<16xi1>, vector<16xi32>
      %select_n3A_26 = arith.select %and3A, %get3A_22, %broadcast_in_dim3A_15 : vector<16xi1>, vector<16xf32>
      %select_n3A_27 = arith.select %gt3A, %get3A_12, %select_n3A_26 : vector<16xi1>, vector<16xf32>
      %jit3A_28 = arith.constant 1 : i32
      %broadcast_in_dim3A_29 = vector.broadcast %jit3A_28 : i32 to vector<16xi32>
      %select_n3A_30 = arith.select %gt3A, %broadcast_in_dim3A_29, %broadcast_in_dim3A_13 : vector<16xi1>, vector<16xi32>
      %select_n3A_31 = arith.select %gt3A, %get3A_22, %get3A_12 : vector<16xi1>, vector<16xf32>
      %add3A_32 = arith.constant 2048 : i32
      %add3A_33 = arith.addi %add3A_32, %mul3A_10 : i32
      %get3A_34 = arith.index_cast %add3A_33 : i32 to index
      %get3A_35 = tpu.vector_load %arg7[%get3A_34] {strides = array<i32>} : memref<8192xf32, #tpu.memory_space<vmem>>, vector<16xf32>,
      %get3A_36 = vector.shape_cast %get3A_35 : vector<16xf32> to vector<16xf32>
      %gt3A_37 = arith.cmpf ogt, %get3A_36, %select_n3A_31 : vector<16xf32>
      %le3A_38 = arith.cmpf ole, %get3A_36, %select_n3A_31 : vector<16xf32>
      %gt3A_39 = arith.cmpf ogt, %get3A_36, %select_n3A_27 : vector<16xf32>
      %and3A_40 = arith.andi %le3A_38, %gt3A_39 : vector<16xi1>
      %jit3A_41 = arith.constant 2 : i32
      %broadcast_in_dim3A_42 = vector.broadcast %jit3A_41 : i32 to vector<16xi32>
      %select_n3A_43 = arith.select %and3A_40, %broadcast_in_dim3A_42, %select_n3A_25 : vector<16xi1>, vector<16xi32>
      %select_n3A_44 = arith.select %gt3A_37, %select_n3A_30, %select_n3A_43 : vector<16xi1>, vector<16xi32>
      %select_n3A_45 = arith.select %and3A_40, %get3A_36, %select_n3A_27 : vector<16xi1>, vector<16xf32>
      %select_n3A_46 = arith.select %gt3A_37, %select_n3A_31, %select_n3A_45 : vector<16xi1>, vector<16xf32>
      %jit3A_47 = arith.constant 2 : i32
      %broadcast_in_dim3A_48 = vector.broadcast %jit3A_47 : i32 to vector<16xi32>
      %select_n3A_49 = arith.select %gt3A_37, %broadcast_in_dim3A_48, %select_n3A_30 : vector<16xi1>, vector<16xi32>
      %select_n3A_50 = arith.select %gt3A_37, %get3A_36, %select_n3A_31 : vector<16xi1>, vector<16xf32>
      %add3A_51 = arith.constant 3072 : i32
      %add3A_52 = arith.addi %add3A_51, %mul3A_10 : i32
      %get3A_53 = arith.index_cast %add3A_52 : i32 to index
      %get3A_54 = tpu.vector_load %arg7[%get3A_53] {strides = array<i32>} : memref<8192xf32, #tpu.memory_space<vmem>>, vector<16xf32>,
      %get3A_55 = vector.shape_cast %get3A_54 : vector<16xf32> to vector<16xf32>
      %gt3A_56 = arith.cmpf ogt, %get3A_55, %select_n3A_50 : vector<16xf32>
      %le3A_57 = arith.cmpf ole, %get3A_55, %select_n3A_50 : vector<16xf32>
      %gt3A_58 = arith.cmpf ogt, %get3A_55, %select_n3A_46 : vector<16xf32>
      %and3A_59 = arith.andi %le3A_57, %gt3A_58 : vector<16xi1>
      %jit3A_60 = arith.constant 3 : i32
      %broadcast_in_dim3A_61 = vector.broadcast %jit3A_60 : i32 to vector<16xi32>
      %select_n3A_62 = arith.select %and3A_59, %broadcast_in_dim3A_61, %select_n3A_44 : vector<16xi1>, vector<16xi32>
      %select_n3A_63 = arith.select %gt3A_56, %select_n3A_49, %select_n3A_62 : vector<16xi1>, vector<16xi32>
      %select_n3A_64 = arith.select %and3A_59, %get3A_55, %select_n3A_46 : vector<16xi1>, vector<16xf32>
      %select_n3A_65 = arith.select %gt3A_56, %select_n3A_50, %select_n3A_64 : vector<16xi1>, vector<16xf32>
      %jit3A_66 = arith.constant 3 : i32
      %broadcast_in_dim3A_67 = vector.broadcast %jit3A_66 : i32 to vector<16xi32>
      %select_n3A_68 = arith.select %gt3A_56, %broadcast_in_dim3A_67, %select_n3A_49 : vector<16xi1>, vector<16xi32>
      %select_n3A_69 = arith.select %gt3A_56, %get3A_55, %select_n3A_50 : vector<16xi1>, vector<16xf32>
      %add3A_70 = arith.constant 4096 : i32
      %add3A_71 = arith.addi %add3A_70, %mul3A_10 : i32
      %get3A_72 = arith.index_cast %add3A_71 : i32 to index
      %get3A_73 = tpu.vector_load %arg7[%get3A_72] {strides = array<i32>} : memref<8192xf32, #tpu.memory_space<vmem>>, vector<16xf32>,
      %get3A_74 = vector.shape_cast %get3A_73 : vector<16xf32> to vector<16xf32>
      %gt3A_75 = arith.cmpf ogt, %get3A_74, %select_n3A_69 : vector<16xf32>
      %le3A_76 = arith.cmpf ole, %get3A_74, %select_n3A_69 : vector<16xf32>
      %gt3A_77 = arith.cmpf ogt, %get3A_74, %select_n3A_65 : vector<16xf32>
      %and3A_78 = arith.andi %le3A_76, %gt3A_77 : vector<16xi1>
      %jit3A_79 = arith.constant 4 : i32
      %broadcast_in_dim3A_80 = vector.broadcast %jit3A_79 : i32 to vector<16xi32>
      %select_n3A_81 = arith.select %and3A_78, %broadcast_in_dim3A_80, %select_n3A_63 : vector<16xi1>, vector<16xi32>
      %select_n3A_82 = arith.select %gt3A_75, %select_n3A_68, %select_n3A_81 : vector<16xi1>, vector<16xi32>
      %select_n3A_83 = arith.select %and3A_78, %get3A_74, %select_n3A_65 : vector<16xi1>, vector<16xf32>
      %select_n3A_84 = arith.select %gt3A_75, %select_n3A_69, %select_n3A_83 : vector<16xi1>, vector<16xf32>
      %jit3A_85 = arith.constant 4 : i32
      %broadcast_in_dim3A_86 = vector.broadcast %jit3A_85 : i32 to vector<16xi32>
      %select_n3A_87 = arith.select %gt3A_75, %broadcast_in_dim3A_86, %select_n3A_68 : vector<16xi1>, vector<16xi32>
      %select_n3A_88 = arith.select %gt3A_75, %get3A_74, %select_n3A_69 : vector<16xi1>, vector<16xf32>
      %add3A_89 = arith.constant 5120 : i32
      %add3A_90 = arith.addi %add3A_89, %mul3A_10 : i32
      %get3A_91 = arith.index_cast %add3A_90 : i32 to index
      %get3A_92 = tpu.vector_load %arg7[%get3A_91] {strides = array<i32>} : memref<8192xf32, #tpu.memory_space<vmem>>, vector<16xf32>,
      %get3A_93 = vector.shape_cast %get3A_92 : vector<16xf32> to vector<16xf32>
      %gt3A_94 = arith.cmpf ogt, %get3A_93, %select_n3A_88 : vector<16xf32>
      %le3A_95 = arith.cmpf ole, %get3A_93, %select_n3A_88 : vector<16xf32>
      %gt3A_96 = arith.cmpf ogt, %get3A_93, %select_n3A_84 : vector<16xf32>
      %and3A_97 = arith.andi %le3A_95, %gt3A_96 : vector<16xi1>
      %jit3A_98 = arith.constant 5 : i32
      %broadcast_in_dim3A_99 = vector.broadcast %jit3A_98 : i32 to vector<16xi32>
      %select_n3A_100 = arith.select %and3A_97, %broadcast_in_dim3A_99, %select_n3A_82 : vector<16xi1>, vector<16xi32>
      %select_n3A_101 = arith.select %gt3A_94, %select_n3A_87, %select_n3A_100 : vector<16xi1>, vector<16xi32>
      %select_n3A_102 = arith.select %and3A_97, %get3A_93, %select_n3A_84 : vector<16xi1>, vector<16xf32>
      %select_n3A_103 = arith.select %gt3A_94, %select_n3A_88, %select_n3A_102 : vector<16xi1>, vector<16xf32>
      %jit3A_104 = arith.constant 5 : i32
      %broadcast_in_dim3A_105 = vector.broadcast %jit3A_104 : i32 to vector<16xi32>
      %select_n3A_106 = arith.select %gt3A_94, %broadcast_in_dim3A_105, %select_n3A_87 : vector<16xi1>, vector<16xi32>
      %select_n3A_107 = arith.select %gt3A_94, %get3A_93, %select_n3A_88 : vector<16xi1>, vector<16xf32>
      %add3A_108 = arith.constant 6144 : i32
      %add3A_109 = arith.addi %add3A_108, %mul3A_10 : i32
      %get3A_110 = arith.index_cast %add3A_109 : i32 to index
      %get3A_111 = tpu.vector_load %arg7[%get3A_110] {strides = array<i32>} : memref<8192xf32, #tpu.memory_space<vmem>>, vector<16xf32>,
      %get3A_112 = vector.shape_cast %get3A_111 : vector<16xf32> to vector<16xf32>
      %gt3A_113 = arith.cmpf ogt, %get3A_112, %select_n3A_107 : vector<16xf32>
      %le3A_114 = arith.cmpf ole, %get3A_112, %select_n3A_107 : vector<16xf32>
      %gt3A_115 = arith.cmpf ogt, %get3A_112, %select_n3A_103 : vector<16xf32>
      %and3A_116 = arith.andi %le3A_114, %gt3A_115 : vector<16xi1>
      %jit3A_117 = arith.constant 6 : i32
      %broadcast_in_dim3A_118 = vector.broadcast %jit3A_117 : i32 to vector<16xi32>
      %select_n3A_119 = arith.select %and3A_116, %broadcast_in_dim3A_118, %select_n3A_101 : vector<16xi1>, vector<16xi32>
      %select_n3A_120 = arith.select %gt3A_113, %select_n3A_106, %select_n3A_119 : vector<16xi1>, vector<16xi32>
      %select_n3A_121 = arith.select %and3A_116, %get3A_112, %select_n3A_103 : vector<16xi1>, vector<16xf32>
      %select_n3A_122 = arith.select %gt3A_113, %select_n3A_107, %select_n3A_121 : vector<16xi1>, vector<16xf32>
      %jit3A_123 = arith.constant 6 : i32
      %broadcast_in_dim3A_124 = vector.broadcast %jit3A_123 : i32 to vector<16xi32>
      %select_n3A_125 = arith.select %gt3A_113, %broadcast_in_dim3A_124, %select_n3A_106 : vector<16xi1>, vector<16xi32>
      %select_n3A_126 = arith.select %gt3A_113, %get3A_112, %select_n3A_107 : vector<16xi1>, vector<16xf32>
      %add3A_127 = arith.constant 7168 : i32
      %add3A_128 = arith.addi %add3A_127, %mul3A_10 : i32
      %get3A_129 = arith.index_cast %add3A_128 : i32 to index
      %get3A_130 = tpu.vector_load %arg7[%get3A_129] {strides = array<i32>} : memref<8192xf32, #tpu.memory_space<vmem>>, vector<16xf32>,
      %get3A_131 = vector.shape_cast %get3A_130 : vector<16xf32> to vector<16xf32>
      %gt3A_132 = arith.cmpf ogt, %get3A_131, %select_n3A_126 : vector<16xf32>
      %le3A_133 = arith.cmpf ole, %get3A_131, %select_n3A_126 : vector<16xf32>
      %gt3A_134 = arith.cmpf ogt, %get3A_131, %select_n3A_122 : vector<16xf32>
      %and3A_135 = arith.andi %le3A_133, %gt3A_134 : vector<16xi1>
      %jit3A_136 = arith.constant 7 : i32
      %broadcast_in_dim3A_137 = vector.broadcast %jit3A_136 : i32 to vector<16xi32>
      %select_n3A_138 = arith.select %and3A_135, %broadcast_in_dim3A_137, %select_n3A_120 : vector<16xi1>, vector<16xi32>
      %select_n3A_139 = arith.select %gt3A_132, %select_n3A_125, %select_n3A_138 : vector<16xi1>, vector<16xi32>
      %select_n3A_140 = arith.select %and3A_135, %get3A_131, %select_n3A_122 : vector<16xi1>, vector<16xf32>
      %select_n3A_141 = arith.select %gt3A_132, %select_n3A_126, %select_n3A_140 : vector<16xi1>, vector<16xf32>
      %jit3A_142 = arith.constant 7 : i32
      %broadcast_in_dim3A_143 = vector.broadcast %jit3A_142 : i32 to vector<16xi32>
      %select_n3A_144 = arith.select %gt3A_132, %broadcast_in_dim3A_143, %select_n3A_125 : vector<16xi1>, vector<16xi32>
      %select_n3A_145 = arith.select %gt3A_132, %get3A_131, %select_n3A_126 : vector<16xi1>, vector<16xf32>
      %sub3A = arith.subf %select_n3A_141, %select_n3A_145 : vector<16xf32>
      %exp3A = math.exp %sub3A : vector<16xf32>
      %add3A_146 = arith.constant 1.000000e+00 : f32
      %add3A_147 = vector.broadcast %add3A_146 : f32 to vector<16xf32>
      %add3A_148 = arith.addf %add3A_147, %exp3A : vector<16xf32>
      %div3A = arith.constant 1.000000e+00 : f32
      %div3A_149 = vector.broadcast %div3A : f32 to vector<16xf32>
      %div3A_150 = arith.divf %div3A_149, %add3A_148 : vector<16xf32>
      %swap3A = arith.index_cast %mul3A_10 : i32 to index
      %swap3A_151 = tpu.vector_load %arg8[%swap3A] {strides = array<i32>} : memref<1024xf32, #tpu.memory_space<vmem>>, vector<16xf32>,
      %swap3A_152 = vector.shape_cast %swap3A_151 : vector<16xf32> to vector<16xf32>
      %swap3A_153 = vector.shape_cast %div3A_150 : vector<16xf32> to vector<16xf32>
      tpu.vector_store %arg8[%swap3A], %swap3A_153 {strides = array<i32>} : memref<1024xf32, #tpu.memory_space<vmem>>, vector<16xf32>,
      %mul3A_154 = arith.mulf %exp3A, %div3A_150 : vector<16xf32>
      %swap3A_155 = arith.index_cast %mul3A_10 : i32 to index
      %swap3A_156 = tpu.vector_load %arg9[%swap3A_155] {strides = array<i32>} : memref<1024xf32, #tpu.memory_space<vmem>>, vector<16xf32>,
      %swap3A_157 = vector.shape_cast %swap3A_156 : vector<16xf32> to vector<16xf32>
      %swap3A_158 = vector.shape_cast %mul3A_154 : vector<16xf32> to vector<16xf32>
      tpu.vector_store %arg9[%swap3A_155], %swap3A_158 {strides = array<i32>} : memref<1024xf32, #tpu.memory_space<vmem>>, vector<16xf32>,
      %swap3A_159 = arith.index_cast %mul3A_10 : i32 to index
      %swap3A_160 = tpu.vector_load %arg10[%swap3A_159] {strides = array<i32>} : memref<1024xi32, #tpu.memory_space<vmem>>, vector<16xi32>,
      %swap3A_161 = vector.shape_cast %swap3A_160 : vector<16xi32> to vector<16xi32>
      %swap3A_162 = vector.shape_cast %select_n3A_144 : vector<16xi32> to vector<16xi32>
      tpu.vector_store %arg10[%swap3A_159], %swap3A_162 {strides = array<i32>} : memref<1024xi32, #tpu.memory_space<vmem>>, vector<16xi32>,
      %swap3A_163 = arith.index_cast %mul3A_10 : i32 to index
      %swap3A_164 = tpu.vector_load %arg11[%swap3A_163] {strides = array<i32>} : memref<1024xi32, #tpu.memory_space<vmem>>, vector<16xi32>,
      %swap3A_165 = vector.shape_cast %swap3A_164 : vector<16xi32> to vector<16xi32>
      %swap3A_166 = vector.shape_cast %select_n3A_139 : vector<16xi32> to vector<16xi32>
      tpu.vector_store %arg11[%swap3A_163], %swap3A_166 {strides = array<i32>} : memref<1024xi32, #tpu.memory_space<vmem>>, vector<16xi32>,
    }
    %scan3A_7 = arith.constant 64 : i32
    "tpu.region"() ({
      %run_scoped3A = tpu.sem_alloc : memref<!tpu.dma_semaphore, #tpu.memory_space<semaphore_mem>>
      %dma_start3A = tpu.memref_slice %arg3[%mul3A_2] : memref<32768xf32, #tpu.memory_space<hbm>> -> memref<1024xf32, #tpu.memory_space<hbm>>
      %dma_start3A_8 = tpu.memref_slice %arg3[%mul3A_2] : memref<32768xf32, #tpu.memory_space<hbm>> -> memref<1024xf32, #tpu.memory_space<hbm>>
      tpu.enqueue_dma source(%arg8 : memref<1024xf32, #tpu.memory_space<vmem>>) target(%dma_start3A_8 : memref<1024xf32, #tpu.memory_space<hbm>>) target_semaphore(%run_scoped3A : memref<!tpu.dma_semaphore, #tpu.memory_space<semaphore_mem>>)
      %dma_wait3A = tpu.memref_slice %arg3[%mul3A_2] : memref<32768xf32, #tpu.memory_space<hbm>> -> memref<1024xf32, #tpu.memory_space<hbm>>
      %dma_wait3A_9 = tpu.memref_slice %arg3[%mul3A_2] : memref<32768xf32, #tpu.memory_space<hbm>> -> memref<1024xf32, #tpu.memory_space<hbm>>
      tpu.wait_dma2 semaphore(%run_scoped3A : memref<!tpu.dma_semaphore, #tpu.memory_space<semaphore_mem>>) src(%arg8 : memref<1024xf32, #tpu.memory_space<vmem>>) dst(%dma_wait3A_9 : memref<1024xf32, #tpu.memory_space<hbm>>)
      tpu.yield
    }) : () -> ()
    "tpu.region"() ({
      %run_scoped3A = tpu.sem_alloc : memref<!tpu.dma_semaphore, #tpu.memory_space<semaphore_mem>>
      %dma_start3A = tpu.memref_slice %arg4[%mul3A_2] : memref<32768xf32, #tpu.memory_space<hbm>> -> memref<1024xf32, #tpu.memory_space<hbm>>
      %dma_start3A_8 = tpu.memref_slice %arg4[%mul3A_2] : memref<32768xf32, #tpu.memory_space<hbm>> -> memref<1024xf32, #tpu.memory_space<hbm>>
      tpu.enqueue_dma source(%arg9 : memref<1024xf32, #tpu.memory_space<vmem>>) target(%dma_start3A_8 : memref<1024xf32, #tpu.memory_space<hbm>>) target_semaphore(%run_scoped3A : memref<!tpu.dma_semaphore, #tpu.memory_space<semaphore_mem>>)
      %dma_wait3A = tpu.memref_slice %arg4[%mul3A_2] : memref<32768xf32, #tpu.memory_space<hbm>> -> memref<1024xf32, #tpu.memory_space<hbm>>
      %dma_wait3A_9 = tpu.memref_slice %arg4[%mul3A_2] : memref<32768xf32, #tpu.memory_space<hbm>> -> memref<1024xf32, #tpu.memory_space<hbm>>
      tpu.wait_dma2 semaphore(%run_scoped3A : memref<!tpu.dma_semaphore, #tpu.memory_space<semaphore_mem>>) src(%arg9 : memref<1024xf32, #tpu.memory_space<vmem>>) dst(%dma_wait3A_9 : memref<1024xf32, #tpu.memory_space<hbm>>)
      tpu.yield
    }) : () -> ()
    "tpu.region"() ({
      %run_scoped3A = tpu.sem_alloc : memref<!tpu.dma_semaphore, #tpu.memory_space<semaphore_mem>>
      %dma_start3A = tpu.memref_slice %arg5[%mul3A_2] : memref<32768xi32, #tpu.memory_space<hbm>> -> memref<1024xi32, #tpu.memory_space<hbm>>
      %dma_start3A_8 = tpu.memref_slice %arg5[%mul3A_2] : memref<32768xi32, #tpu.memory_space<hbm>> -> memref<1024xi32, #tpu.memory_space<hbm>>
      tpu.enqueue_dma source(%arg10 : memref<1024xi32, #tpu.memory_space<vmem>>) target(%dma_start3A_8 : memref<1024xi32, #tpu.memory_space<hbm>>) target_semaphore(%run_scoped3A : memref<!tpu.dma_semaphore, #tpu.memory_space<semaphore_mem>>)
      %dma_wait3A = tpu.memref_slice %arg5[%mul3A_2] : memref<32768xi32, #tpu.memory_space<hbm>> -> memref<1024xi32, #tpu.memory_space<hbm>>
      %dma_wait3A_9 = tpu.memref_slice %arg5[%mul3A_2] : memref<32768xi32, #tpu.memory_space<hbm>> -> memref<1024xi32, #tpu.memory_space<hbm>>
      tpu.wait_dma2 semaphore(%run_scoped3A : memref<!tpu.dma_semaphore, #tpu.memory_space<semaphore_mem>>) src(%arg10 : memref<1024xi32, #tpu.memory_space<vmem>>) dst(%dma_wait3A_9 : memref<1024xi32, #tpu.memory_space<hbm>>)
      tpu.yield
    }) : () -> ()
    "tpu.region"() ({
      %run_scoped3A = tpu.sem_alloc : memref<!tpu.dma_semaphore, #tpu.memory_space<semaphore_mem>>
      %dma_start3A = tpu.memref_slice %arg6[%mul3A_2] : memref<32768xi32, #tpu.memory_space<hbm>> -> memref<1024xi32, #tpu.memory_space<hbm>>
      %dma_start3A_8 = tpu.memref_slice %arg6[%mul3A_2] : memref<32768xi32, #tpu.memory_space<hbm>> -> memref<1024xi32, #tpu.memory_space<hbm>>
      tpu.enqueue_dma source(%arg11 : memref<1024xi32, #tpu.memory_space<vmem>>) target(%dma_start3A_8 : memref<1024xi32, #tpu.memory_space<hbm>>) target_semaphore(%run_scoped3A : memref<!tpu.dma_semaphore, #tpu.memory_space<semaphore_mem>>)
      %dma_wait3A = tpu.memref_slice %arg6[%mul3A_2] : memref<32768xi32, #tpu.memory_space<hbm>> -> memref<1024xi32, #tpu.memory_space<hbm>>
      %dma_wait3A_9 = tpu.memref_slice %arg6[%mul3A_2] : memref<32768xi32, #tpu.memory_space<hbm>> -> memref<1024xi32, #tpu.memory_space<hbm>>
      tpu.wait_dma2 semaphore(%run_scoped3A : memref<!tpu.dma_semaphore, #tpu.memory_space<semaphore_mem>>) src(%arg11 : memref<1024xi32, #tpu.memory_space<vmem>>) dst(%dma_wait3A_9 : memref<1024xi32, #tpu.memory_space<hbm>>)
      tpu.yield
    }) : () -> ()
    return
  }
}

module attributes {stable_mosaic.version = 14 : i64} {
  func.func @_logits_body(%arg0: i32, %arg1: memref<4096x384xf32, #tpu.memory_space<vmem>>, %arg2: memref<4096x384xf32, #tpu.memory_space<vmem>>, %arg3: memref<384x16xf32, #tpu.memory_space<vmem>>, %arg4: memref<384x16xf32, #tpu.memory_space<vmem>>, %arg5: memref<1x16xf32, #tpu.memory_space<vmem>>, %arg6: memref<8x4096xf32, #tpu.memory_space<vmem>>, %arg7: memref<4096x8xf32, #tpu.memory_space<vmem>>, %arg8: memref<4096x8xf32, #tpu.memory_space<vmem>>, %arg9: memref<4x8x1024xf32, #tpu.memory_space<vmem>>) attributes {dimension_semantics = [#tpu.dimension_semantics<arbitrary>], iteration_bounds = array<i64: 8>, scalar_prefetch = 0 : i64, scratch_operands = 0 : i64, tpu.core_type = #tpu.core_type<tc>, window_params = [{transform_indices = @transform_0, window_bounds = array<i64: 4096, 384>}, {transform_indices = @transform_1, window_bounds = array<i64: 4096, 384>}, {transform_indices = @transform_2, window_bounds = array<i64: 384, 16>}, {transform_indices = @transform_3, window_bounds = array<i64: 384, 16>}, {pipeline_mode = #tpu.pipeline_mode<synchronous>, transform_indices = @transform_4, window_bounds = array<i64: 1, 16>}, {transform_indices = @transform_5, window_bounds = array<i64: 8, 4096>}, {transform_indices = @transform_6, window_bounds = array<i64: 4096, 8>}, {transform_indices = @transform_7, window_bounds = array<i64: 4096, 8>}, {transform_indices = @transform_8, window_bounds = array<i64: 4, 8, 1024>}]} {
    %get3A = arith.constant 0 : index
    %get3A_0 = arith.constant 0 : index
    %get3A_1 = vector.load %arg1[%get3A, %get3A_0] : memref<4096x384xf32, #tpu.memory_space<vmem>>, vector<4096x384xf32>
    %get3A_2 = arith.constant 0 : index
    %get3A_3 = arith.constant 0 : index
    %get3A_4 = vector.load %arg3[%get3A_2, %get3A_3] : memref<384x16xf32, #tpu.memory_space<vmem>>, vector<384x16xf32>
    %dot_general3A = arith.constant dense<0.000000e+00> : vector<4096x16xf32>
    %dot_general3A_5 = tpu.matmul %get3A_1, %get3A_4, %dot_general3A {dimension_numbers = #tpu.dot_dimension_numbers<[1], [0], [0], [1], [0, 0, 1, 1], [], []>, transpose_lhs_hint = false} : vector<4096x384xf32>, vector<384x16xf32>, vector<4096x16xf32> -> vector<4096x16xf32>
    %get3A_6 = arith.constant 0 : index
    %get3A_7 = arith.constant 0 : index
    %get3A_8 = vector.load %arg2[%get3A_6, %get3A_7] : memref<4096x384xf32, #tpu.memory_space<vmem>>, vector<4096x384xf32>
    %get3A_9 = arith.constant 0 : index
    %get3A_10 = arith.constant 0 : index
    %get3A_11 = vector.load %arg4[%get3A_9, %get3A_10] : memref<384x16xf32, #tpu.memory_space<vmem>>, vector<384x16xf32>
    %dot_general3A_12 = arith.constant dense<0.000000e+00> : vector<4096x16xf32>
    %dot_general3A_13 = tpu.matmul %get3A_8, %get3A_11, %dot_general3A_12 {dimension_numbers = #tpu.dot_dimension_numbers<[1], [0], [0], [1], [0, 0, 1, 1], [], []>, transpose_lhs_hint = false} : vector<4096x384xf32>, vector<384x16xf32>, vector<4096x16xf32> -> vector<4096x16xf32>
    %add3A = arith.addf %dot_general3A_5, %dot_general3A_13 : vector<4096x16xf32>
    %get3A_14 = arith.constant 0 : index
    %get3A_15 = arith.constant 0 : index
    %get3A_16 = vector.load %arg5[%get3A_14, %get3A_15] : memref<1x16xf32, #tpu.memory_space<vmem>>, vector<1x16xf32>
    %add3A_17 = vector.broadcast %get3A_16 : vector<1x16xf32> to vector<4096x16xf32>
    %add3A_18 = arith.addf %add3A, %add3A_17 : vector<4096x16xf32>
    %slice3A = vector.extract_strided_slice %add3A_18 {offsets = [0, 0], sizes = [4096, 8], strides = [1, 1]} : vector<4096x16xf32> to vector<4096x8xf32>
    %swap3A = arith.constant 0 : index
    %swap3A_19 = arith.constant 0 : index
    %swap3A_20 = vector.load %arg7[%swap3A, %swap3A_19] : memref<4096x8xf32, #tpu.memory_space<vmem>>, vector<4096x8xf32>
    tpu.vector_store %arg7[%swap3A, %swap3A_19], %slice3A {strides = array<i32>} : memref<4096x8xf32, #tpu.memory_space<vmem>>, vector<4096x8xf32>,
    %transpose3A = tpu.transpose %add3A_18, [1, 0] : vector<4096x16xf32> -> vector<16x4096xf32>
    %slice3A_21 = vector.extract_strided_slice %transpose3A {offsets = [8, 0], sizes = [8, 4096], strides = [1, 1]} : vector<16x4096xf32> to vector<8x4096xf32>
    %max3A = arith.constant 0.000000e+00 : f32
    %max3A_22 = vector.broadcast %max3A : f32 to vector<8x4096xf32>
    %max3A_23 = arith.maximumf %slice3A_21, %max3A_22 : vector<8x4096xf32>
    %abs3A = math.absf %slice3A_21 : vector<8x4096xf32>
    %neg3A = arith.constant 0.000000e+00 : f32
    %neg3A_24 = vector.broadcast %neg3A : f32 to vector<8x4096xf32>
    %neg3A_25 = arith.subf %neg3A_24, %abs3A : vector<8x4096xf32>
    %exp3A = math.exp %neg3A_25 : vector<8x4096xf32>
    %log1p3A = math.log1p %exp3A : vector<8x4096xf32>
    %add3A_26 = arith.addf %max3A_23, %log1p3A : vector<8x4096xf32>
    %slice3A_27 = vector.extract_strided_slice %transpose3A {offsets = [0, 0], sizes = [8, 4096], strides = [1, 1]} : vector<16x4096xf32> to vector<8x4096xf32>
    %get3A_28 = arith.constant 0 : index
    %get3A_29 = arith.constant 0 : index
    %get3A_30 = vector.load %arg6[%get3A_28, %get3A_29] : memref<8x4096xf32, #tpu.memory_space<vmem>>, vector<8x4096xf32>
    %mul3A = arith.mulf %get3A_30, %add3A_26 : vector<8x4096xf32>
    %add3A_31 = arith.addf %slice3A_27, %mul3A : vector<8x4096xf32>
    %transpose3A_32 = tpu.transpose %add3A_31, [1, 0] : vector<8x4096xf32> -> vector<4096x8xf32>
    %swap3A_33 = arith.constant 0 : index
    %swap3A_34 = arith.constant 0 : index
    %swap3A_35 = vector.load %arg8[%swap3A_33, %swap3A_34] : memref<4096x8xf32, #tpu.memory_space<vmem>>, vector<4096x8xf32>
    tpu.vector_store %arg8[%swap3A_33, %swap3A_34], %transpose3A_32 {strides = array<i32>} : memref<4096x8xf32, #tpu.memory_space<vmem>>, vector<4096x8xf32>,
    %slice3A_36 = vector.extract_strided_slice %add3A_31 {offsets = [0, 0], sizes = [8, 1024], strides = [1, 1]} : vector<8x4096xf32> to vector<8x1024xf32>
    %swap3A_37 = arith.constant 0 : index
    %swap3A_38 = arith.constant 0 : index
    %swap3A_39 = arith.constant 0 : index
    %swap3A_40 = vector.load %arg9[%swap3A_37, %swap3A_38, %swap3A_39] : memref<4x8x1024xf32, #tpu.memory_space<vmem>>, vector<1x8x1024xf32>
    %swap3A_41 = vector.shape_cast %swap3A_40 : vector<1x8x1024xf32> to vector<8x1024xf32>
    %swap3A_42 = vector.shape_cast %slice3A_36 : vector<8x1024xf32> to vector<1x8x1024xf32>
    tpu.vector_store %arg9[%swap3A_37, %swap3A_38, %swap3A_39], %swap3A_42 {strides = array<i32>} : memref<4x8x1024xf32, #tpu.memory_space<vmem>>, vector<1x8x1024xf32>,
    %slice3A_43 = vector.extract_strided_slice %add3A_31 {offsets = [0, 1024], sizes = [8, 1024], strides = [1, 1]} : vector<8x4096xf32> to vector<8x1024xf32>
    %swap3A_44 = arith.constant 1 : index
    %swap3A_45 = arith.constant 0 : index
    %swap3A_46 = arith.constant 0 : index
    %swap3A_47 = vector.load %arg9[%swap3A_44, %swap3A_45, %swap3A_46] : memref<4x8x1024xf32, #tpu.memory_space<vmem>>, vector<1x8x1024xf32>
    %swap3A_48 = vector.shape_cast %swap3A_47 : vector<1x8x1024xf32> to vector<8x1024xf32>
    %swap3A_49 = vector.shape_cast %slice3A_43 : vector<8x1024xf32> to vector<1x8x1024xf32>
    tpu.vector_store %arg9[%swap3A_44, %swap3A_45, %swap3A_46], %swap3A_49 {strides = array<i32>} : memref<4x8x1024xf32, #tpu.memory_space<vmem>>, vector<1x8x1024xf32>,
    %slice3A_50 = vector.extract_strided_slice %add3A_31 {offsets = [0, 2048], sizes = [8, 1024], strides = [1, 1]} : vector<8x4096xf32> to vector<8x1024xf32>
    %swap3A_51 = arith.constant 2 : index
    %swap3A_52 = arith.constant 0 : index
    %swap3A_53 = arith.constant 0 : index
    %swap3A_54 = vector.load %arg9[%swap3A_51, %swap3A_52, %swap3A_53] : memref<4x8x1024xf32, #tpu.memory_space<vmem>>, vector<1x8x1024xf32>
    %swap3A_55 = vector.shape_cast %swap3A_54 : vector<1x8x1024xf32> to vector<8x1024xf32>
    %swap3A_56 = vector.shape_cast %slice3A_50 : vector<8x1024xf32> to vector<1x8x1024xf32>
    tpu.vector_store %arg9[%swap3A_51, %swap3A_52, %swap3A_53], %swap3A_56 {strides = array<i32>} : memref<4x8x1024xf32, #tpu.memory_space<vmem>>, vector<1x8x1024xf32>,
    %slice3A_57 = vector.extract_strided_slice %add3A_31 {offsets = [0, 3072], sizes = [8, 1024], strides = [1, 1]} : vector<8x4096xf32> to vector<8x1024xf32>
    %swap3A_58 = arith.constant 3 : index
    %swap3A_59 = arith.constant 0 : index
    %swap3A_60 = arith.constant 0 : index
    %swap3A_61 = vector.load %arg9[%swap3A_58, %swap3A_59, %swap3A_60] : memref<4x8x1024xf32, #tpu.memory_space<vmem>>, vector<1x8x1024xf32>
    %swap3A_62 = vector.shape_cast %swap3A_61 : vector<1x8x1024xf32> to vector<8x1024xf32>
    %swap3A_63 = vector.shape_cast %slice3A_57 : vector<8x1024xf32> to vector<1x8x1024xf32>
    tpu.vector_store %arg9[%swap3A_58, %swap3A_59, %swap3A_60], %swap3A_63 {strides = array<i32>} : memref<4x8x1024xf32, #tpu.memory_space<vmem>>, vector<1x8x1024xf32>,
    return
  }
  func.func @transform_0(%arg0: i32) -> (i32, i32) {
    %c0_i32 = arith.constant 0 : i32
    %c0_i32_0 = arith.constant 0 : i32
    return %arg0, %c0_i32 : i32, i32
  }
  func.func @transform_1(%arg0: i32) -> (i32, i32) {
    %c1_i32 = arith.constant 1 : i32
    %c0_i32 = arith.constant 0 : i32
    return %arg0, %c1_i32 : i32, i32
  }
  func.func @transform_2(%arg0: i32) -> (i32, i32) {
    %c0_i32 = arith.constant 0 : i32
    %c0_i32_0 = arith.constant 0 : i32
    %c0_i32_1 = arith.constant 0 : i32
    return %c0_i32, %c0_i32_0 : i32, i32
  }
  func.func @transform_3(%arg0: i32) -> (i32, i32) {
    %c1_i32 = arith.constant 1 : i32
    %c0_i32 = arith.constant 0 : i32
    %c0_i32_0 = arith.constant 0 : i32
    return %c1_i32, %c0_i32 : i32, i32
  }
  func.func @transform_4(%arg0: i32) -> (i32, i32) {
    %c0_i32 = arith.constant 0 : i32
    %c0_i32_0 = arith.constant 0 : i32
    %c0_i32_1 = arith.constant 0 : i32
    return %c0_i32, %c0_i32_0 : i32, i32
  }
  func.func @transform_5(%arg0: i32) -> (i32, i32) {
    %c0_i32 = arith.constant 0 : i32
    %c0_i32_0 = arith.constant 0 : i32
    return %c0_i32, %arg0 : i32, i32
  }
  func.func @transform_6(%arg0: i32) -> (i32, i32) {
    %c0_i32 = arith.constant 0 : i32
    %c0_i32_0 = arith.constant 0 : i32
    return %arg0, %c0_i32 : i32, i32
  }
  func.func @transform_7(%arg0: i32) -> (i32, i32) {
    %c0_i32 = arith.constant 0 : i32
    %c0_i32_0 = arith.constant 0 : i32
    return %arg0, %c0_i32 : i32, i32
  }
  func.func @transform_8(%arg0: i32) -> (i32, i32, i32) {
    %c0_i32 = arith.constant 0 : i32
    %c0_i32_0 = arith.constant 0 : i32
    %c0_i32_1 = arith.constant 0 : i32
    return %arg0, %c0_i32, %c0_i32_0 : i32, i32, i32
  }
}

</mosaic_0001>

<sc_bundles>
// kernel: kernel.4.cloned.1.call-start
scs
__scs_entry_jumppad:
0x0: {  	(pc) =	sbr.rel $0x88, $3  }
0x1: {  	(tag) =	ssettag $0x0;
	lr =	simm.s32 $0x1  }
0x2: {  	[smem:$0x3F9C] =	sst lr;
	_ =	strace $0xD0000000  }
0x3: {  	_ = 	snop  }
0x4: {  	_ = 	snop  }
0x5: {  	_ = 	snop  }
0x6: {  	_ = 	snop  }
0x7: {  	_ = 	snop  }
__scs_overlays_trampoline_lowered:
0x8: {  	[smem:$0x3FAB] =	sst s0  }
0x9: {  	[smem:$0x3FAC] =	sst s1  }
0xa: {  	[smem:$0x3FAD] =	sst s2  }
0xb: {  	[smem:$0x3FAE] =	sst s3  }
0xc: {  	[smem:$0x3FAF] =	sst s4  }
0xd: {  	[smem:$0x3FB0] =	sst s5  }
0xe: {  	[smem:$0x3FB1] =	sst s6  }
0xf: {  	[smem:$0x3FB2] =	sst s7  }
0x10: {  	[smem:$0x3FB3] =	sst s8  }
0x11: {  	[smem:$0x3FB4] =	sst s9;
	s0 =	simm.s32 @!p0 $0x0  }
0x12: {  	s1 =	sld [smem:$0x3F9A];
	s0 =	simm.s32 @p0 $0x1  }
0x13: {  	[smem:$0x3FB5] =	sst s0;
	s0 =	simm.s32 @!p1 $0x0  }
0x14: {  	s2 =	sld [smem:$0x3F99];
	s0 =	simm.s32 @p1 $0x1  }
0x15: {  	[smem:$0x3FB6] =	sst s0;
	s0 =	simm.s32 @!p2 $0x0  }
0x16: {  	s3 =	sld [smem:$0x3FDB];
	s0 =	simm.s32 @p2 $0x1  }
0x17: {  	s4 =	simm.s32 $0x1BF5;
	[smem:$0x3FB8] =	sst s0  }
0x18: {  	s0 =	sld [smem:$0x3F9B];
	_ =	swait.ge [sflag:s4], $0x0  }
0x19: {  	s7 =	sld [smem:$0x3F9C]  }
0x1a: {  	s8 =	sadd.s32 $0xFFFFE003, lr  }
0x1b: {  	s9 =	sadd.s32 $0xFFFFFEF7, lr;
	s5 =	simm.s32 $0xFFFFFFFF;
	p2 =	slt.u32 s8, $0xFFFFF086  }
0x1c: {  	p1 =	slt.u32 s9, $0xF7A;
	s5 =	simm.s32 @!p2 $0x0  }
0x1d: {  	s5 =	simm.s32 @p1 $0x1;
	p0 =	seq.s32 s7, s2  }
0x1e: {  	s7 =	smul.u32 @!p0 $0xF7A, s2;
	p2 =	seq.s32 @!p0 s5, $0x0  }
0x1f: {  	s9 =	smul.u32 $0xF7A, s1;
	s8 =	simm.s32 @!p0 $0x1BF5;
	p2 =	por !p2, p0  }
0x20: {  	[sflag:s8] =	ssyncset.s32 @!p0 $0xFFFFF086;
	s6 =	sadd.s32 @!p0 s3, s7;
	s7 =	simm.s32 @!p0 $0x108  }
0x21: {  	s3 =	sadd.s32 s3, s9;
	s6 =	sadd.s32 @!p0 $0x88, s6;
	s7 =	simm.s32 @p2 $0x1082  }
0x22: {  	[simem:s7], [sflag:s8] =	dma.local @!p0 [hbm:s6], $0xF7A  }
0x23: {  	s9 =	sor.u32 $0xD0000000, s2;
	s6 =	simm.s32 $0x108;
	_ =	swait.ge @!p0 [sflag:s8], $0x0  }
0x24: {  	s3 =	sadd.s32 $0x88, s3;
	s6 =	simm.s32 @!p1 $0x1082;
	[sflag:s4] =	ssyncset.s32 $0xFFFFF086  }
0x25: {  	[simem:s6], [sflag:s4] =	dma.local [hbm:s3], $0xF7A  }
0x26: {  	[smem:$0x3F9C] =	sst s1;
	(tag) =	ssettag s2;
	_ =	strace s9  }
0x27: {  	s1 =	sld [smem:$0x3FAC]  }
0x28: {  	s2 =	sld [smem:$0x3FAD]  }
0x29: {  	s4 =	sld [smem:$0x3FAF]  }
0x2a: {  	p0 =	seq.s32 s5, $0x0;
	s5 =	sld [smem:$0x3FB0]  }
0x2b: {  	s6 =	sld [smem:$0x3FB1]  }
0x2c: {  	s7 =	sld [smem:$0x3FB2]  }
0x2d: {  	s3 =	simm.s32 $0x108;
	s8 =	sld [smem:$0x3FB3]  }
0x2e: {  	s3 =	simm.s32 @!p0 $0x1082;
	s9 =	sld [smem:$0x3FB4]  }
0x2f: {  	lr =	sadd.s32 s0, s3;
	s0 =	sld [smem:$0x3FAB]  }
0x30: {  	s3 =	sld [smem:$0x3FAE]  }
0x31: {  	[smem:$0x3FB7] =	sst s10  }
0x32: {  	s10 =	sld [smem:$0x3FB5];
	_ =	sdelay $0x3  }
0x33: {  	p0 =	seq.s32 s10, $0x1;
	s10 =	sld [smem:$0x3FB7];
	_ =	sdelay $0x3  }
0x34: {  	[smem:$0x3FB7] =	sst s10  }
0x35: {  	s10 =	sld [smem:$0x3FB6];
	_ =	sdelay $0x3  }
0x36: {  	p1 =	seq.s32 s10, $0x1;
	s10 =	sld [smem:$0x3FB7];
	_ =	sdelay $0x3  }
0x37: {  	[smem:$0x3FB7] =	sst s10  }
0x38: {  	s10 =	sld [smem:$0x3FB8]  }
0x39: {  	_ = 	snop;
	(pc) =	sbr.ind lr, $3  }
0x3a: {  	_ = 	snop  }
0x3b: {  	_ = 	snop  }
0x3c: {  	p2 =	seq.s32 s10, $0x1;
	s10 =	sld [smem:$0x3FB7]  }
0x3d: {  	_ =	shalt  }
0x3e: {  	_ =	shalt  }
0x3f: {  	_ =	shalt  }
0x40: {  	_ =	shalt  }
0x41: {  	_ =	shalt  }
0x42: {  	_ =	shalt  }
0x43: {  	_ =	shalt  }
0x44: {  	_ =	shalt  }
0x45: {  	_ =	shalt  }
0x46: {  	_ =	shalt  }
0x47: {  	_ =	shalt  }
0x48: {  	_ =	shalt  }
0x49: {  	_ =	shalt  }
0x4a: {  	_ =	shalt  }
0x4b: {  	_ =	shalt  }
0x4c: {  	_ =	shalt  }
0x4d: {  	_ =	shalt  }
0x4e: {  	_ =	shalt  }
0x4f: {  	_ =	shalt  }
0x50: {  	_ =	shalt  }
0x51: {  	_ =	shalt  }
0x52: {  	_ =	shalt  }
0x53: {  	_ =	shalt  }
0x54: {  	_ =	shalt  }
0x55: {  	_ =	shalt  }
0x56: {  	_ =	shalt  }
0x57: {  	_ =	shalt  }
0x58: {  	_ =	shalt  }
0x59: {  	_ =	shalt  }
0x5a: {  	_ =	shalt  }
0x5b: {  	_ =	shalt  }
0x5c: {  	_ =	shalt  }
0x5d: {  	_ =	shalt  }
0x5e: {  	_ =	shalt  }
0x5f: {  	_ =	shalt  }
0x60: {  	_ =	shalt  }
0x61: {  	_ =	shalt  }
0x62: {  	_ =	shalt  }
0x63: {  	_ =	shalt  }
0x64: {  	_ =	shalt  }
0x65: {  	_ =	shalt  }
0x66: {  	_ =	shalt  }
0x67: {  	_ =	shalt  }
0x68: {  	_ =	shalt  }
0x69: {  	_ =	shalt  }
0x6a: {  	_ =	shalt  }
0x6b: {  	_ =	shalt  }
0x6c: {  	_ =	shalt  }
0x6d: {  	_ =	shalt  }
0x6e: {  	_ =	shalt  }
0x6f: {  	_ =	shalt  }
0x70: {  	_ =	shalt  }
0x71: {  	_ =	shalt  }
0x72: {  	_ =	shalt  }
0x73: {  	_ =	shalt  }
0x74: {  	_ =	shalt  }
0x75: {  	_ =	shalt  }
0x76: {  	_ =	shalt  }
0x77: {  	_ =	shalt  }
0x78: {  	_ =	shalt  }
0x79: {  	_ =	shalt  }
0x7a: {  	_ =	shalt  }
0x7b: {  	_ =	shalt  }
0x7c: {  	_ =	shalt  }
0x7d: {  	_ =	shalt  }
0x7e: {  	_ =	shalt  }
0x7f: {  	_ =	shalt  }
0x80: {  	_ =	shalt  }
0x81: {  	_ =	shalt  }
0x82: {  	_ =	shalt  }
0x83: {  	_ =	shalt  }
0x84: {  	_ =	shalt  }
0x85: {  	_ =	shalt  }
0x86: {  	_ =	shalt  }
0x87: {  	_ =	shalt  }
.Lfunc_end0:
.L_simem_size_0:
called_computation_lowered:
.L_overlay_start_0:
0x88: {  	s2 =	sld [smem:$0x3FD9]  }
0x89: {  	s3 =	sld [smem:$0x3FFE];
	_ =	sdelay $0x1  }
0x8a: {  	s1 =	srdreg.scid  }
0x8b: {  	s0 =	sand.u32 $0x1, s1  }
0x8c: {  	s14 =	sshll.u32 s0, $0xA;
	s2 =	sadd.s32 s3, s2  }
0x8d: {  	s2 =	sadd.s32 s2, s14  }
0x8e: {  	[smem:$0x3FC3] =	sst s2  }
0x8f: {  	_ = 	snop  }
0x90: {  	s2 =	sld [smem:$0x3FD0];
	_ =	sdelay $0x2  }
0x91: {  	s15 =	simm.s32 $0xA;
	s4 =	simm.s32 $0x10  }
0x92: {  	[smem:s4], [sflag:s15] =	dma.local [hbm:s2], $0x1  }
0x93: {  	_ =	swait.eq [sflag:s15], $0x1  }
0x94: {  	[sflag:s15] =	ssyncset.done $0x0  }
0x95: {  	[sflag:s15] =	ssyncadd.s32 $0xFFFFFFFF  }
0x96: {  	s16 =	sld [smem:$0x11];
	(tm) =	ssettm $0x1  }
0x97: {  	s17 =	sld [smem:$0x3FFB];
	_ =	sdelay $0x3  }
0x98: {  	_ =	strace s17  }
0x99: {  	s3 =	sld [smem:$0x3FFC];
	_ =	sdelay $0x3  }
0x9a: {  	_ =	strace s3  }
0x9b: {  	s3 =	sld [smem:$0x3FFD];
	_ =	sdelay $0x3  }
0x9c: {  	_ =	strace s3  }
0x9d: {  	_ =	strace $0x8FFFFFFF  }
0x9e: {  	s18 =	sld [smem:$0x3FDB];
	_ =	sdelay $0x1  }
0x9f: {  	s19 =	simm.s32 $_scs_section_size  }
0xa0: {  	s5 =	simm.s32 $_size__tile_overlayer_lowered;
	s6 =	simm.s32 $_tile_overlayer_lowered  }
0xa1: {  	s22 =	simm.s32 $0x1BFF;
	s21 =	sshll.u32 s6, $0x1;
	s3 =	sadd.s32 s19, s18  }
0xa2: {  	s7 =	simm.s32 $0x0;
	s20 =	sshll.u32 s5, $0x1;
	s5 =	sadd.s32 s21, s3  }
0xa3: {  	[timem:s7], [sflag:s22] =	dma.local [hbm:s5], s20  }
0xa4: {  	_ =	swait.ge [sflag:s22], s20  }
0xa5: {  	s4 =	ssub.s32 $0x0, s20;
	[sflag:s22] =	ssyncset.done $0x0  }
0xa6: {  	[sflag:s22] =	ssyncadd.s32 s4;
	_ =	sdelay $0x1  }
0xa7: {  	s23 =	simm.s32 $0x1B8B  }
0xa8: {  	_ =	swait.ge [sflag:s23], $0x1  }
0xa9: {  	[sflag:s23] =	ssyncset.done $0x0  }
0xaa: {  	s25 =	simm.s32 $0x1B8E;
	s24 =	sld [smem:$0x3FFE];
	[sflag:s23] =	ssyncadd.s32 $0xFFFFFFFF  }
0xab: {  	s26 =	simm.s32 $execute0_lowered;
	[smem:$0x3FD2] =	sst s25  }
0xac: {  	s5 =	sshll.u32 s26, $0x1;
	_ =	strace $0x80000046;
	[dreg:$0x1] =	wrdreg $0xFFFFFFFF  }
0xad: {  	s28 =	simm.s32 $_size_execute0_lowered;
	s3 =	sadd.s32 s3, s5;
	[dreg:$0x0] =	wrdreg $0x0  }
0xae: {  	s5 =	sshll.u32 s28, $0x1;
	[dreg:$0x2] =	wrdreg s3  }
0xaf: {  	[dreg:$0x3] =	wrdreg s5  }
0xb0: {  	[dreg:$0x4] =	wrdreg $0xC0  }
0xb1: {  	_ =	task [dreg:s7], $0x5FFFF  }
0xb2: {  	[dreg:$0x1] =	wrdreg $0xFFFFFFFF  }
0xb3: {  	[dreg:$0x0] =	wrdreg $0x60  }
0xb4: {  	[dreg:$0x2] =	wrdreg s24  }
0xb5: {  	[dreg:$0x3] =	wrdreg s16  }
0xb6: {  	[dreg:$0x4] =	wrdreg $0x9  }
0xb7: {  	_ =	task.clear_ibuf [dreg:s7], $0x5FFFF;
	_ =	strace $0x90000046  }
0xb8: {  	s29 =	simm.s32 $0x9;
	_ =	strace $0x80000048  }
0xb9: {  	_ =	swait.ge [sflag:s29], $0x1  }
0xba: {  	[sflag:s29] =	ssyncadd.s32 $0xFFFFFFFF  }
0xbb: {  	_ =	strace $0x90000048  }
0xbc: {  	_ =	sfence  }
0xbd: {  	s30 =	sld [smem:$0x0];
	_ =	sdelay $0x2  }
0xbe: {  	s31 =	sshll.u32 s1, $0xD;
	s1 =	sshrl.u32 s1, $0x2  }
0xbf: {  	s3 =	sand.u32 $0x4000, s31;
	s1 =	sadd.s32 s1, s30  }
0xc0: {  	s0 =	sor.u32 s3, s0;
	s1 =	sshll.u32 s1, $0x11  }
0xc1: {  	s0 =	sor.u32 s1, s0  }
0xc2: {  	s0 =	sadd.s32 $0x8F2B, s0  }
0xc3: {  	[sflag:s0] =	ssyncadd.remote.s32 $0x1  }
0xc4: {  	_ =	sfence.sel $0xFFFF  }
0xc5: {  	[dreg:$0x0] =	wrdreg $0xFFFFFFFF;
	(pc) =	sbr.abs _section_cstart, $3  }
0xc6: {  	[dreg:$0x1] =	wrdreg $0xFFFFFFFF  }
0xc7: {  	_ =	task.clear_ibuf [dreg:s7], $0x2FFFF;
	_ =	strace $0x9FFFFFFF  }
0xc8: {  	(tm) =	ssettm $0x7FFFFFFF  }
0xc9: {  	_ =	shalt  }
tec
execute0_lowered:
.L_overlay_start_1:
0x0: {  	(tag) =	ssettag $0x1  }
0x1: {  	s1 =	srdreg.scid;
	s4 =	rddreg [dreg:$0x0]  }
0x2: {  	s0 =	stileid.u32;
	s5 =	rddreg [dreg:$0x1];
	s10 =	simm.s32 $0x400  }
0x3: {  	s11 =	simm.s32 $0x1;
	s12 =	simm.s32 $0x2000;
	s13 =	simm.s32 $0x2400  }
0x4: {  	s14 =	simm.s32 $0x2800;
	s15 =	simm.s32 $0x2C00;
	s3 =	sand.u32 $0x1, s1  }
0x5: {  	s16 =	simm.s32 $0x0;
	s30 =	sshll.u32 s0, $0x8;
	s2 =	sshll.u32 s3, $0x7  }
0x6: {  	s6 =	sshll.u32 s0, $0xE;
	s1 =	rddreg [dreg:$0x2];
	s7 =	sor.u32 s2, s30  }
0x7: {  	s3 =	ssub.s32 $0x2, s3;
	s2 =	simm.s32 $0x0;
	s6 =	sor.u32 s6, s7  }
0x8: {  	s31 =	sshrl.u32 s3, $0x1;
	[smem:$0x7FF] =	sst s2;
	s6 =	sand.u32 $0x30380, s6  }
0x9: {  	s8 =	sadd.s32 s7, s4;
	s9 =	ssub.s32 s3, s31;
	s6 =	sshrl.u32 s6, $0x3  }
0xa: {  	_ =	strace $0x80000047;
	s6 =	sadd.s32 s6, s4;
	s4 =	sadd.s32 s5, s7  }
0xb: {  	s5 =	sadd.s32 $0x88C00, s8;
	s7 =	sadd.s32 $0x8AC00, s8;
	s3 =	sadd.s32 $0x80C00, s6  }
0xc: {  	v0 =	vimm.s32 $0x0;
	s6 =	sadd.s32 $0x89C00, s8;
	s8 =	smax.u32 s9, $0x1;
	s9 =	simm.s32 $0x80  }
.LBB2_1:
0xd: {  	[tilespmem:s2], [sflag:$0x1] =	stream.strided.gather [hbm4b:s3+s9], $0x2000, s10, s9, $0x38;
	[tilespmem:$0x3000] =	vst v63  }
0xe: {  	_ =	swait.ge [sflag:s11], $0x2000  }
0xf: {  	[sflag:s11] =	ssyncset.done $0x0  }
0x10: {  	s17 =	sand.u32 $0x3F0, s2;
	[sflag:s11] =	ssyncadd.s32 $0xFFFFE000  }
0x11: {  	v1 =	vld [tilespmem:s17+$0x400]  }
0x12: {  	v2 =	vld [tilespmem:s2+$0x0];
	_ =	sdelay $0x3  }
0x13: {  	v3 =	vld [tilespmem:s17+$0x800];
	vm0 =	vlt.f32 v1, $-Inf;
	vm1 =	vgt.f32 v1, $-Inf  }
0x14: {  	vm2 =	vle.f32 v1, v2;
	vm0 =	vmor vm1, vm0  }
0x15: {  	vm1 =	vmand vm2, vm0  }
0x16: {  	vm0 =	vgt.f32 v1, v2;
	v4 =	vnsel vm1, $0xFF800000, v1  }
0x17: {  	v59 =	vld [tilespmem:s17+$0xC00];
	v1 =	vsel vm0, v1, v2;
	v2 =	vsel vm0, v2, v4  }
0x18: {  	vm13 =	vle.f32 v3, v1;
	vm3 =	vgt.f32 v3, v2  }
0x19: {  	vm3 =	vmand vm13, vm3  }
0x1a: {  	vm2 =	vgt.f32 v3, v1;
	v2 =	vsel vm3, v3, v2  }
0x1b: {  	v2 =	vsel vm2, v1, v2;
	v1 =	vsel vm2, v3, v1;
	v3 =	vld [tilespmem:s17+$0x1000]  }
0x1c: {  	vm4 =	vle.f32 v59, v1;
	vm5 =	vgt.f32 v59, v2  }
0x1d: {  	vm5 =	vmand vm4, vm5  }
0x1e: {  	vm4 =	vgt.f32 v59, v1;
	v2 =	vsel vm5, v59, v2  }
0x1f: {  	v60 =	vld [tilespmem:s17+$0x1400];
	v2 =	vsel vm4, v1, v2;
	v1 =	vsel vm4, v59, v1  }
0x20: {  	vm6 =	vle.f32 v3, v1;
	vm7 =	vgt.f32 v3, v2  }
0x21: {  	vm7 =	vmand vm6, vm7  }
0x22: {  	vm6 =	vgt.f32 v3, v1;
	v2 =	vsel vm7, v3, v2  }
0x23: {  	v2 =	vsel vm6, v1, v2;
	v1 =	vsel vm6, v3, v1;
	v3 =	vld [tilespmem:s17+$0x1800]  }
0x24: {  	vm8 =	vle.f32 v60, v1;
	vm9 =	vgt.f32 v60, v2  }
0x25: {  	vm11 =	vmand vm8, vm9  }
0x26: {  	vm8 =	vgt.f32 v60, v1;
	v2 =	vsel vm11, v60, v2  }
0x27: {  	v61 =	vld [tilespmem:s17+$0x1C00];
	v2 =	vsel vm8, v1, v2;
	v1 =	vsel vm8, v60, v1  }
0x28: {  	vm14 =	vle.f32 v3, v1;
	vm10 =	vgt.f32 v3, v2  }
0x29: {  	vm12 =	vmand vm14, vm10  }
0x2a: {  	vm10 =	vgt.f32 v3, v1;
	v2 =	vsel vm12, v3, v2  }
0x2b: {  	v2 =	vsel vm10, v1, v2;
	v1 =	vsel vm10, v3, v1  }
0x2c: {  	vm9 =	vle.f32 v61, v1;
	vm13 =	vgt.f32 v61, v2  }
0x2d: {  	vm13 =	vmand vm9, vm13  }
0x2e: {  	vm15 =	vgt.f32 v61, v1;
	v2 =	vsel vm13, v61, v2  }
0x2f: {  	v2 =	vsel vm15, v1, v2;
	v1 =	vsel vm15, v61, v1  }
0x30: {  	v1 =	vsub.f32 v2, v1;
	_ =	sdelay $0x1  }
0x31: {  	v1 =	vmul.f32 $1.442695020e+00, v1;
	_ =	sdelay $0x1  }
0x32: {  	(erf) = vpow2.f32 v1;
	_ =	sdelay $0x8  }
0x33: {  	v1 =	vpop (erf)  }
0x34: {  	v2 =	vadd.f32 $1.000000000e+00, v1;
	_ =	sdelay $0x1  }
0x35: {  	(erf) = vrcp.f32 v2  }
0x36: {  	v2 =	vsel vm1, $0x1, v0  }
0x37: {  	v3 =	vsel vm0, $0x1, v0;
	v2 =	vsel vm3, $0x2, v2  }
0x38: {  	v2 =	vsel vm2, v3, v2  }
0x39: {  	v3 =	vsel vm2, $0x2, v3;
	v2 =	vsel vm5, $0x3, v2  }
0x3a: {  	v2 =	vsel vm4, v3, v2  }
0x3b: {  	v3 =	vsel vm4, $0x3, v3;
	v2 =	vsel vm7, $0x4, v2  }
0x3c: {  	v2 =	vsel vm6, v3, v2  }
0x3d: {  	v3 =	vsel vm6, $0x4, v3;
	v2 =	vsel vm11, $0x5, v2  }
0x3e: {  	v2 =	vsel vm8, v3, v2;
	v62 =	vpop (erf)  }
0x3f: {  	v3 =	vsel vm8, $0x5, v3;
	v2 =	vsel vm12, $0x6, v2;
	v1 =	vmul.f32 v62, v1  }
0x40: {  	s21 =	simm.s32 $0x10;
	s26 =	simm.s32 $0x20;
	v2 =	vsel vm10, v3, v2;
	v3 =	vsel vm10, $0x6, v3;
	[tilespmem:s12+$0x0] =	vst v62  }
0x41: {  	s20 =	simm.s32 $0x2010;
	s18 =	simm.s32 $0x2410;
	s19 =	simm.s32 $0x2810;
	v2 =	vsel vm13, $0x7, v2;
	v63 =	vsel vm15, $0x7, v3;
	[tilespmem:s13+$0x0] =	vst v1  }
0x42: {  	s23 =	simm.s32 $0x2C00;
	s22 =	simm.s32 $0x0;
	s17 =	simm.s32 $0x2C10;
	v1 =	vsel vm15, v3, v2;
	[tilespmem:s14+$0x0] =	vst v63  }
.LBB2_2:
0x43: {  	s25 =	sand.u32 $0x3F0, s21;
	s22 =	sadd.s32 $0x10, s22  }
0x44: {  	[tilespmem:s23+$0x0] =	vst v1;
	s21 =	smov.u32 s26;
	s24 =	sadd.s32 $0x10, s26;
	s23 =	smov.u32 s17  }
0x45: {  	p0 =	sne.s32 s26, $0x3F0;
	v1 =	vld [tilespmem:s25+$0x400]  }
0x46: {  	v2 =	vld [tilespmem:s22+$0x0];
	_ =	sdelay $0x3  }
0x47: {  	vm0 =	vlt.f32 v1, $-Inf;
	vm1 =	vgt.f32 v1, $-Inf;
	v3 =	vld [tilespmem:s25+$0x800]  }
0x48: {  	vm2 =	vgt.f32 v1, v2;
	vm3 =	vle.f32 v1, v2;
	vm0 =	vmor vm1, vm0  }
0x49: {  	vm0 =	vmand vm3, vm0;
	v4 =	vsel vm2, v1, v2  }
0x4a: {  	v1 =	vnsel vm0, $0xFF800000, v1  }
0x4b: {  	v1 =	vsel vm2, v2, v1;
	v2 =	vld [tilespmem:s25+$0xC00]  }
0x4c: {  	vm1 =	vle.f32 v3, v4;
	vm3 =	vgt.f32 v3, v1  }
0x4d: {  	v6 =	vsel vm2, $0x1, v0;
	v5 =	vsel vm0, $0x1, v0;
	vm0 =	vmand vm1, vm3  }
0x4e: {  	vm1 =	vgt.f32 v3, v4;
	v5 =	vsel vm0, $0x2, v5;
	v1 =	vsel vm0, v3, v1  }
0x4f: {  	v3 =	vsel vm1, v3, v4;
	v5 =	vsel vm1, v6, v5;
	v1 =	vsel vm1, v4, v1;
	v4 =	vld [tilespmem:s25+$0x1000]  }
0x50: {  	vm0 =	vle.f32 v2, v3;
	vm2 =	vgt.f32 v2, v1  }
0x51: {  	v6 =	vsel vm1, $0x2, v6;
	vm0 =	vmand vm0, vm2  }
0x52: {  	vm1 =	vgt.f32 v2, v3;
	v5 =	vsel vm0, $0x3, v5;
	v1 =	vsel vm0, v2, v1  }
0x53: {  	v2 =	vsel vm1, v2, v3;
	v5 =	vsel vm1, v6, v5;
	v1 =	vsel vm1, v3, v1;
	v3 =	vld [tilespmem:s25+$0x1400]  }
0x54: {  	vm0 =	vle.f32 v4, v2;
	vm2 =	vgt.f32 v4, v1  }
0x55: {  	v6 =	vsel vm1, $0x3, v6;
	vm0 =	vmand vm0, vm2  }
0x56: {  	vm1 =	vgt.f32 v4, v2;
	v5 =	vsel vm0, $0x4, v5;
	v1 =	vsel vm0, v4, v1  }
0x57: {  	v5 =	vsel vm1, v6, v5;
	v1 =	vsel vm1, v2, v1;
	v2 =	vsel vm1, v4, v2;
	v4 =	vld [tilespmem:s25+$0x1800]  }
0x58: {  	vm0 =	vle.f32 v3, v2;
	vm2 =	vgt.f32 v3, v1  }
0x59: {  	vm0 =	vmand vm0, vm2  }
0x5a: {  	vm2 =	vgt.f32 v3, v2;
	v5 =	vsel vm0, $0x5, v5;
	v1 =	vsel vm0, v3, v1  }
0x5b: {  	v1 =	vsel vm2, v2, v1;
	v2 =	vsel vm2, v3, v2;
	v3 =	vld [tilespmem:s25+$0x1C00]  }
0x5c: {  	v6 =	vsel vm1, $0x4, v6;
	vm0 =	vle.f32 v4, v2;
	vm1 =	vgt.f32 v4, v1  }
0x5d: {  	v5 =	vsel vm2, v6, v5;
	v6 =	vsel vm2, $0x5, v6;
	vm0 =	vmand vm0, vm1  }
0x5e: {  	vm1 =	vgt.f32 v4, v2;
	v5 =	vsel vm0, $0x6, v5;
	v1 =	vsel vm0, v4, v1  }
0x5f: {  	v5 =	vsel vm1, v6, v5;
	v1 =	vsel vm1, v2, v1;
	v2 =	vsel vm1, v4, v2  }
0x60: {  	vm0 =	vle.f32 v3, v2;
	vm2 =	vgt.f32 v3, v1  }
0x61: {  	v4 =	vsel vm1, $0x6, v6;
	vm1 =	vmand vm0, vm2  }
0x62: {  	vm0 =	vgt.f32 v3, v2;
	v5 =	vsel vm1, $0x7, v5;
	v6 =	vsel vm1, v3, v1  }
0x63: {  	v1 =	vsel vm0, v4, v5;
	v5 =	vsel vm0, v2, v6;
	v2 =	vsel vm0, v3, v2  }
0x64: {  	v2 =	vsub.f32 v5, v2;
	_ =	sdelay $0x1  }
0x65: {  	v2 =	vmul.f32 $1.442695020e+00, v2;
	_ =	sdelay $0x1  }
0x66: {  	(erf) = vpow2.f32 v2;
	_ =	sdelay $0x8  }
0x67: {  	v2 =	vpop (erf)  }
0x68: {  	v3 =	vadd.f32 $1.000000000e+00, v2;
	_ =	sdelay $0x1  }
0x69: {  	(erf) = vrcp.f32 v3;
	_ =	sdelay $0x8  }
.Ltmp0:
0x6a: {  	v3 =	vpop (erf);
	(pc) =	sbr.rel @p0 .LBB2_2-.Ltmp0, $4  }
0x6b: {  	v2 =	vmul.f32 v3, v2  }
0x6c: {  	[tilespmem:s20+$0x0] =	vst v3  }
0x6d: {  	s17 =	sadd.s32 $0x10, s17;
	s26 =	smov.u32 s24;
	v3 =	vsel vm0, $0x7, v4;
	[tilespmem:s18+$0x0] =	vst v2  }
0x6e: {  	s20 =	sadd.s32 $0x10, s20;
	s18 =	sadd.s32 $0x10, s18;
	[tilespmem:s19+$0x0] =	vst v3;
	s19 =	sadd.s32 $0x10, s19  }
0x6f: {  	s21 =	sand.u32 $0x3F0, s21;
	[tilespmem:s23+$0x0] =	vst v1  }
0x70: {  	s22 =	sadd.s32 $0x10, s22;
	v1 =	vld [tilespmem:s21+$0x400]  }
0x71: {  	v2 =	vld [tilespmem:s22+$0x0];
	_ =	sdelay $0x3  }
0x72: {  	v3 =	vld [tilespmem:s21+$0x800];
	vm0 =	vlt.f32 v1, $-Inf;
	vm1 =	vgt.f32 v1, $-Inf  }
0x73: {  	vm2 =	vle.f32 v1, v2;
	vm0 =	vmor vm1, vm0  }
0x74: {  	vm1 =	vmand vm2, vm0  }
0x75: {  	vm0 =	vgt.f32 v1, v2;
	v4 =	vnsel vm1, $0xFF800000, v1  }
0x76: {  	v59 =	vld [tilespmem:s21+$0xC00];
	v1 =	vsel vm0, v1, v2;
	v2 =	vsel vm0, v2, v4  }
0x77: {  	vm15 =	vle.f32 v3, v1;
	vm3 =	vgt.f32 v3, v2  }
0x78: {  	vm3 =	vmand vm15, vm3  }
0x79: {  	vm2 =	vgt.f32 v3, v1;
	v2 =	vsel vm3, v3, v2  }
0x7a: {  	v2 =	vsel vm2, v1, v2;
	v1 =	vsel vm2, v3, v1;
	v3 =	vld [tilespmem:s21+$0x1000]  }
0x7b: {  	vm4 =	vle.f32 v59, v1;
	vm5 =	vgt.f32 v59, v2  }
0x7c: {  	vm5 =	vmand vm4, vm5  }
0x7d: {  	vm4 =	vgt.f32 v59, v1;
	v2 =	vsel vm5, v59, v2  }
0x7e: {  	v60 =	vld [tilespmem:s21+$0x1400];
	v2 =	vsel vm4, v1, v2;
	v1 =	vsel vm4, v59, v1  }
0x7f: {  	vm6 =	vle.f32 v3, v1;
	vm7 =	vgt.f32 v3, v2  }
0x80: {  	vm7 =	vmand vm6, vm7  }
0x81: {  	vm6 =	vgt.f32 v3, v1;
	v2 =	vsel vm7, v3, v2  }
0x82: {  	v2 =	vsel vm6, v1, v2;
	v1 =	vsel vm6, v3, v1;
	v3 =	vld [tilespmem:s21+$0x1800]  }
0x83: {  	vm8 =	vle.f32 v60, v1;
	vm9 =	vgt.f32 v60, v2  }
0x84: {  	vm9 =	vmand vm8, vm9  }
0x85: {  	vm8 =	vgt.f32 v60, v1;
	v2 =	vsel vm9, v60, v2  }
0x86: {  	v61 =	vld [tilespmem:s21+$0x1C00];
	v2 =	vsel vm8, v1, v2;
	v1 =	vsel vm8, v60, v1  }
0x87: {  	vm10 =	vle.f32 v3, v1;
	vm11 =	vgt.f32 v3, v2  }
0x88: {  	vm11 =	vmand vm10, vm11  }
0x89: {  	vm10 =	vgt.f32 v3, v1;
	v2 =	vsel vm11, v3, v2  }
0x8a: {  	v2 =	vsel vm10, v1, v2;
	v1 =	vsel vm10, v3, v1  }
0x8b: {  	vm12 =	vle.f32 v61, v1;
	vm13 =	vgt.f32 v61, v2  }
0x8c: {  	vm13 =	vmand vm12, vm13  }
0x8d: {  	vm12 =	vgt.f32 v61, v1;
	v2 =	vsel vm13, v61, v2  }
0x8e: {  	v2 =	vsel vm12, v1, v2;
	v1 =	vsel vm12, v61, v1  }
0x8f: {  	v1 =	vsub.f32 v2, v1;
	_ =	sdelay $0x1  }
0x90: {  	v1 =	vmul.f32 $1.442695020e+00, v1;
	_ =	sdelay $0x1  }
0x91: {  	(erf) = vpow2.f32 v1;
	_ =	sdelay $0x8  }
0x92: {  	v1 =	vpop (erf)  }
0x93: {  	v2 =	vadd.f32 $1.000000000e+00, v1;
	_ =	sdelay $0x1  }
0x94: {  	(erf) = vrcp.f32 v2  }
0x95: {  	v2 =	vsel vm1, $0x1, v0  }
0x96: {  	v3 =	vsel vm0, $0x1, v0;
	v2 =	vsel vm3, $0x2, v2  }
0x97: {  	v2 =	vsel vm2, v3, v2  }
0x98: {  	v3 =	vsel vm2, $0x2, v3;
	v2 =	vsel vm5, $0x3, v2  }
0x99: {  	v2 =	vsel vm4, v3, v2  }
0x9a: {  	v3 =	vsel vm4, $0x3, v3;
	v2 =	vsel vm7, $0x4, v2  }
0x9b: {  	v2 =	vsel vm6, v3, v2  }
0x9c: {  	v3 =	vsel vm6, $0x4, v3;
	v2 =	vsel vm9, $0x5, v2  }
0x9d: {  	v2 =	vsel vm8, v3, v2;
	v62 =	vpop (erf)  }
0x9e: {  	v3 =	vsel vm8, $0x5, v3;
	v2 =	vsel vm11, $0x6, v2;
	v1 =	vmul.f32 v62, v1  }
0x9f: {  	v2 =	vsel vm10, v3, v2;
	v3 =	vsel vm10, $0x6, v3;
	[tilespmem:s20+$0x0] =	vst v62  }
0xa0: {  	v2 =	vsel vm13, $0x7, v2;
	v63 =	vsel vm12, $0x7, v3;
	[tilespmem:s18+$0x0] =	vst v1  }
0xa1: {  	v1 =	vsel vm12, v3, v2;
	[tilespmem:s19+$0x0] =	vst v63  }
0xa2: {  	[tilespmem:s17+$0x0] =	vst v1  }
0xa3: {  	[hbm4b:s4+s2] =	stream.linear.scatter [tilespmem:s12], [sflag:$0x1], $0x400, $0x38;
	[tilespmem:$0x3000] =	vst v63  }
0xa4: {  	_ =	swait.ge [sflag:s11], $0x400  }
0xa5: {  	[sflag:s11] =	ssyncset.done $0x0  }
0xa6: {  	[sflag:s11] =	ssyncadd.s32 $0xFFFFFC00  }
0xa7: {  	[hbm4b:s5+s2] =	stream.linear.scatter [tilespmem:s13], [sflag:$0x1], $0x400, $0x38;
	[tilespmem:$0x3000] =	vst v63  }
0xa8: {  	_ =	swait.ge [sflag:s11], $0x400  }
0xa9: {  	[sflag:s11] =	ssyncset.done $0x0  }
0xaa: {  	[sflag:s11] =	ssyncadd.s32 $0xFFFFFC00  }
0xab: {  	[hbm4b:s6+s2] =	stream.linear.scatter [tilespmem:s14], [sflag:$0x1], $0x400, $0x38;
	[tilespmem:$0x3000] =	vst v63  }
0xac: {  	s16 =	sadd.s32 $0x1, s16;
	_ =	swait.ge [sflag:s11], $0x400  }
0xad: {  	p0 =	sne.s32 s16, s8;
	[sflag:s11] =	ssyncset.done $0x0  }
.Ltmp1:
0xae: {  	[sflag:s11] =	ssyncadd.s32 $0xFFFFFC00;
	(pc) =	sbr.rel @p0 .LBB2_1-.Ltmp1, $4  }
0xaf: {  	[hbm4b:s7+s2] =	stream.linear.scatter [tilespmem:s15], [sflag:$0x1], $0x400, $0x38;
	[tilespmem:$0x3000] =	vst v63  }
0xb0: {  	_ =	swait.ge [sflag:s11], $0x400  }
0xb1: {  	[sflag:s11] =	ssyncset.done $0x0  }
0xb2: {  	[sflag:s11] =	ssyncadd.s32 $0xFFFFFC00  }
0xb3: {  	_ =	sfence.sel $0x180000  }
0xb4: {  	[bflag:$0x0] =	sbarrier.arrive $0xFFFF  }
0xb5: {  	p0 =	sne.s32 s0, $0x0;
	_ =	strace $0x90000047  }
0xb6: {  	s0 =	sadd.s32 @!p0 $0x100000, s1;
	[bflag:$0x2] =	sbarrier.arrive $0xFFFF  }
0xb7: {  	[sflag:s0] =	ssyncadd.tile.s32 @!p0 $0x1;
	_ =	shalt  }
.Lfunc_end2:
_tile_overlayer_lowered:
.L_overlay_start_2:
0xb8: {  	(tag) =	ssettag $0x2  }
0xb9: {  	s0 =	rddreg [dreg:$0x0];
	s2 =	stileid.u32  }
0xba: {  	s1 =	rddreg [dreg:$0x1];
	p0 =	sne.s32 s2, $0x0  }
0xbb: {  	s3 =	rddreg [dreg:$0x2];
	[bflag:$0x3] =	sbarrier.arrive $0xFFFF;
	s2 =	simm.s32 @!p0 $0x1C01  }
0xbc: {  	[timem:s3], [sflag:s2] =	dma.local @!p0 [hbm:s0], s1  }
0xbd: {  	s0 =	simm.s32 @!p0 $0x1  }
0xbe: {  	_ =	swait.ge @!p0 [sflag:s0], s1  }
0xbf: {  	s1 =	ssub.s32 @!p0 $0x0, s1;
	[sflag:s0] =	ssyncset.done @!p0 $0x0  }
0xc0: {  	[sflag:s0] =	ssyncadd.s32 @!p0 s1  }
0xc1: {  	[bflag:$0x3] =	sbarrier.arrive $0xFFFF  }
0xc2: {  	_ =	shalt  }

</sc_bundles>
